<compile_context>
chip_gen: v7x
topology: tpu7x:2x2x1
jax: 0.10.2.dev20260603
libtpu: 0.0.44.dev20260713+nightly
codegen_flags: <defaults>
</compile_context>

<pallas_src>
import functools

import jax
import jax.numpy as jnp
from jax import lax
from jax.experimental import pallas as pl
from jax.experimental.pallas import tpu as pltpu
from jax.experimental.pallas import tpu_sc as plsc

N_TOK = 16384
N_CODES = 8192
DIM = 32
COMMIT = 0.25
BM = 1024


CHUNK = 4096


def _dist_argmin_body(zn_ref, z_ref, wt_ref, wn_ref, code_ref, dmin_ref, dsum_ref):
    m = lax.dot_general(
        z_ref[...], wt_ref[...], (((1,), (0,)), ((), ())),
        preferred_element_type=jnp.float32)
    d = (zn_ref[...] - 2.0 * m) + wn_ref[...]
    best_q = jnp.full((d.shape[0], 1), jnp.inf, dtype=jnp.float32)
    best_d = jnp.full((d.shape[0], 1), jnp.inf, dtype=jnp.float32)
    best_i = jnp.zeros((d.shape[0], 1), dtype=jnp.int32)
    for c in range(N_CODES // CHUNK):
        dc = lax.slice_in_dim(d, c * CHUNK, (c + 1) * CHUNK, axis=1)
        mc = jnp.min(dc, axis=1, keepdims=True)
        idx = lax.broadcasted_iota(jnp.int32, dc.shape, 1)
        cand = jnp.where(dc == mc, idx, CHUNK)
        ic = jnp.min(cand, axis=1, keepdims=True) + c * CHUNK
        upd = mc < best_q
        best_i = jnp.where(upd, ic, best_i)
        best_d = jnp.where(upd, mc, best_d)
        best_q = jnp.where(upd, mc, best_q).astype(jnp.bfloat16).astype(jnp.float32)
    code_ref[...] = best_i
    dmin_ref[...] = best_d

    @pl.when(pl.program_id(0) == 0)
    def _init():
        dsum_ref[...] = jnp.zeros_like(dsum_ref)

    dsum_ref[...] += jnp.sum(best_d)


def _dist_argmin(zn, z_e, w_t, wn_row):
    grid = N_TOK // BM
    return pl.pallas_call(
        _dist_argmin_body,
        grid=(grid,),
        in_specs=[
            pl.BlockSpec((BM, 1), lambda i: (i, 0)),
            pl.BlockSpec((BM, DIM), lambda i: (i, 0)),
            pl.BlockSpec((DIM, N_CODES), lambda i: (0, 0)),
            pl.BlockSpec((1, N_CODES), lambda i: (0, 0)),
        ],
        out_specs=[
            pl.BlockSpec((BM, 1), lambda i: (i, 0)),
            pl.BlockSpec((BM, 1), lambda i: (i, 0)),
            pl.BlockSpec((1, 1), lambda i: (0, 0)),
        ],
        out_shape=[
            jax.ShapeDtypeStruct((N_TOK, 1), jnp.int32),
            jax.ShapeDtypeStruct((N_TOK, 1), jnp.float32),
            jax.ShapeDtypeStruct((1, 1), jnp.float32),
        ],
    )(zn, z_e, w_t, wn_row)


def _gather_st(embed_weight, code, z_e):
    info = plsc.get_sparse_core_info()
    nc, ns = info.num_cores, info.num_subcores
    nw = nc * ns
    bpw = N_TOK // nw
    mesh = plsc.VectorSubcoreMesh(core_axis_name="c", subcore_axis_name="s")

    n_chunk = bpw // 128

    @functools.partial(
        pl.kernel,
        mesh=mesh,
        out_type=jax.ShapeDtypeStruct((N_TOK, DIM), jnp.float32),
        scratch_types=[
            pltpu.VMEM((n_chunk, 128), jnp.int32),
            pltpu.VMEM((bpw, DIM), jnp.float32),
            pltpu.VMEM((bpw, DIM), jnp.float32),
            pltpu.SemaphoreType.DMA,
        ],
        compiler_params=pltpu.CompilerParams(use_tc_tiling_on_sc=False),
    )
    def gather_kernel(table_hbm, idx_hbm, ze_hbm, out_hbm, idx_v, rows_v, ze_v, sem):
        wid = lax.axis_index("s") * nc + lax.axis_index("c")
        base = wid * bpw
        for j in range(n_chunk):
            pltpu.sync_copy(idx_hbm.at[pl.ds(base + j * 128, 128)], idx_v.at[j])
        cps = [
            pltpu.async_copy(
                table_hbm.at[idx_v.at[j]],
                rows_v.at[pl.ds(j * 128, 128), :],
                sem,
            )
            for j in range(n_chunk)
        ]
        pltpu.sync_copy(ze_hbm.at[pl.ds(base, bpw), :], ze_v)
        for cp in cps:
            cp.wait()

        def row(r, carry):
            a0 = ze_v[r, pl.ds(0, 16)]
            b0 = rows_v[r, pl.ds(0, 16)]
            rows_v[r, pl.ds(0, 16)] = a0 + (b0 - a0)
            a1 = ze_v[r, pl.ds(16, 16)]
            b1 = rows_v[r, pl.ds(16, 16)]
            rows_v[r, pl.ds(16, 16)] = a1 + (b1 - a1)
            return carry

        lax.fori_loop(0, bpw, row, 0)
        pltpu.sync_copy(rows_v, out_hbm.at[pl.ds(base, bpw), :])

    return gather_kernel(embed_weight, code, z_e)


def kernel(z_e, embed_weight):
    zn = jnp.sum(z_e ** 2, axis=1, keepdims=True)
    wn = jnp.sum(embed_weight ** 2, axis=1)
    z_bf = z_e.astype(jnp.bfloat16)
    w_t = embed_weight.T.astype(jnp.bfloat16)
    code2, _dmin, dsum = _dist_argmin(zn, z_bf, w_t, wn.reshape(1, N_CODES))
    code = code2.reshape(N_TOK)
    z_q_st = _gather_st(embed_weight, code, z_e)
    loss = dsum[0, 0] / (N_TOK * DIM)
    latent_loss = loss + COMMIT * loss
    return (z_q_st, latent_loss, code)

# --- scband reference (transcript-rebuilt; emitter-appended) ---
"""Pipeline reference for scband-vector-quantizer-76897094468398 (READ-ONLY COPY).

The authoritative reference and input builder live on the scoring server;
editing this copy changes nothing except your own understanding.
"""

import jax, jax.numpy as jnp
import numpy as np

N_EMBED = 8192
EMBED_DIM = 32
COMMITMENT_COST = 0.25


def setup_inputs(seed: int = 0) -> dict:
    key = jax.random.key(seed)
    k1, k2 = jax.random.split(key)
    z_e = jax.random.normal(k1, (16384, EMBED_DIM), dtype=jnp.float32)
    embed_weight = jax.random.uniform(
        k2, (N_EMBED, EMBED_DIM), dtype=jnp.float32,
        minval=-1.0 / N_EMBED, maxval=1.0 / N_EMBED)
    return {"z_e": z_e, "embed_weight": embed_weight}


def reference(z_e, embed_weight):
    # distances[i, j] = ||z_e[i]||^2 - 2 <z_e[i], W[j]> + ||W[j]||^2
    distances = (jnp.sum(z_e ** 2, axis=1, keepdims=True)
                 - 2.0 * jnp.matmul(z_e, embed_weight.T)
                 + jnp.sum(embed_weight ** 2, axis=1))
    code = jnp.argmin(distances, axis=1)
    z_q = jnp.take(embed_weight, code, axis=0)
    loss_codebook = jnp.mean((z_q - jax.lax.stop_gradient(z_e)) ** 2)
    loss_commit = jnp.mean((z_e - jax.lax.stop_gradient(z_q)) ** 2)
    latent_loss = loss_codebook + COMMITMENT_COST * loss_commit
    z_q_st = z_e + jax.lax.stop_gradient(z_q - z_e)
    return (z_q_st, latent_loss, code)

if __name__ == "__main__":
    import jax
    _d = setup_inputs()
    print(jax.jit(kernel)(*tuple(_d.values())))

</pallas_src>

<mosaic_0001>
#map = affine_map<(d0, d1) -> (0, 0)>
#map1 = affine_map<(d0, d1) -> (0)>
module attributes {stable_mosaic.version = 14 : i64} {
  func.func @gather_kernel(%arg0: i32, %arg1: i32, %arg2: memref<8192x32xf32, #tpu.memory_space<hbm>>, %arg3: memref<16384xi32, #tpu.memory_space<hbm>>, %arg4: memref<16384x32xf32, #tpu.memory_space<hbm>>, %arg5: memref<16384x32xf32, #tpu.memory_space<hbm>>, %arg6: memref<4x128xi32, #tpu.memory_space<vmem>>, %arg7: memref<512x32xf32, #tpu.memory_space<vmem>>, %arg8: memref<512x32xf32, #tpu.memory_space<vmem>>, %arg9: memref<!tpu.dma_semaphore, #tpu.memory_space<semaphore_mem>>) attributes {dimension_semantics = [#tpu.dimension_semantics<core_parallel>, #tpu.dimension_semantics<subcore_parallel>], iteration_bounds = array<i64: 2, 16>, scalar_prefetch = 0 : i64, scratch_operands = 4 : i64, tpu.core_type = #tpu.core_type<sc_vector_subcore>, window_params = [{transform_indices = #map}, {transform_indices = #map1}, {transform_indices = #map}, {transform_indices = #map}]} {
    %mul3A = arith.constant 2 : i32
    %mul3A_0 = arith.muli %arg1, %mul3A : i32
    %add3A = arith.addi %mul3A_0, %arg0 : i32
    %mul3A_1 = arith.constant 512 : i32
    %mul3A_2 = arith.muli %add3A, %mul3A_1 : i32
    %add3A_3 = arith.constant 0 : i32
    %add3A_4 = arith.addi %mul3A_2, %add3A_3 : i32
    %run_scoped3A = arith.constant 0 : i32
    "tpu.region"() ({
      %run_scoped3A_97 = tpu.sem_alloc : memref<!tpu.dma_semaphore, #tpu.memory_space<semaphore_mem>>
      %dma_start3A_98 = arith.constant 0 : i32
      %dma_start3A_99 = tpu.memref_slice %arg6[%run_scoped3A, %dma_start3A_98] : memref<4x128xi32, #tpu.memory_space<vmem>> -> memref<1x128xi32, #tpu.memory_space<vmem>>
      %dma_start3A_100 = tpu.memref_squeeze %dma_start3A_99 : memref<1x128xi32, #tpu.memory_space<vmem>> -> memref<128xi32, #tpu.memory_space<vmem>>
      %dma_start3A_101 = tpu.memref_slice %arg3[%add3A_4] : memref<16384xi32, #tpu.memory_space<hbm>> -> memref<128xi32, #tpu.memory_space<hbm>>
      %dma_start3A_102 = arith.constant 0 : i32
      %dma_start3A_103 = tpu.memref_slice %arg6[%run_scoped3A, %dma_start3A_102] : memref<4x128xi32, #tpu.memory_space<vmem>> -> memref<1x128xi32, #tpu.memory_space<vmem>>
      %dma_start3A_104 = tpu.memref_squeeze %dma_start3A_103 : memref<1x128xi32, #tpu.memory_space<vmem>> -> memref<128xi32, #tpu.memory_space<vmem>>
      %dma_start3A_105 = tpu.memref_slice %arg3[%add3A_4] : memref<16384xi32, #tpu.memory_space<hbm>> -> memref<128xi32, #tpu.memory_space<hbm>>
      tpu.enqueue_dma source(%dma_start3A_105 : memref<128xi32, #tpu.memory_space<hbm>>) target(%dma_start3A_104 : memref<128xi32, #tpu.memory_space<vmem>>) target_semaphore(%run_scoped3A_97 : memref<!tpu.dma_semaphore, #tpu.memory_space<semaphore_mem>>)
      %dma_wait3A_106 = arith.constant 0 : i32
      %dma_wait3A_107 = tpu.memref_slice %arg6[%run_scoped3A, %dma_wait3A_106] : memref<4x128xi32, #tpu.memory_space<vmem>> -> memref<1x128xi32, #tpu.memory_space<vmem>>
      %dma_wait3A_108 = tpu.memref_squeeze %dma_wait3A_107 : memref<1x128xi32, #tpu.memory_space<vmem>> -> memref<128xi32, #tpu.memory_space<vmem>>
      %dma_wait3A_109 = tpu.memref_slice %arg3[%add3A_4] : memref<16384xi32, #tpu.memory_space<hbm>> -> memref<128xi32, #tpu.memory_space<hbm>>
      %dma_wait3A_110 = arith.constant 0 : i32
      %dma_wait3A_111 = tpu.memref_slice %arg6[%run_scoped3A, %dma_wait3A_110] : memref<4x128xi32, #tpu.memory_space<vmem>> -> memref<1x128xi32, #tpu.memory_space<vmem>>
      %dma_wait3A_112 = tpu.memref_squeeze %dma_wait3A_111 : memref<1x128xi32, #tpu.memory_space<vmem>> -> memref<128xi32, #tpu.memory_space<vmem>>
      %dma_wait3A_113 = tpu.memref_slice %arg3[%add3A_4] : memref<16384xi32, #tpu.memory_space<hbm>> -> memref<128xi32, #tpu.memory_space<hbm>>
      tpu.wait_dma2 semaphore(%run_scoped3A_97 : memref<!tpu.dma_semaphore, #tpu.memory_space<semaphore_mem>>) src(%dma_wait3A_113 : memref<128xi32, #tpu.memory_space<hbm>>) dst(%dma_wait3A_112 : memref<128xi32, #tpu.memory_space<vmem>>)
      tpu.yield
    }) : () -> ()
    %add3A_5 = arith.constant 128 : i32
    %add3A_6 = arith.addi %mul3A_2, %add3A_5 : i32
    %run_scoped3A_7 = arith.constant 1 : i32
    "tpu.region"() ({
      %run_scoped3A_97 = tpu.sem_alloc : memref<!tpu.dma_semaphore, #tpu.memory_space<semaphore_mem>>
      %dma_start3A_98 = arith.constant 0 : i32
      %dma_start3A_99 = tpu.memref_slice %arg6[%run_scoped3A_7, %dma_start3A_98] : memref<4x128xi32, #tpu.memory_space<vmem>> -> memref<1x128xi32, #tpu.memory_space<vmem>>
      %dma_start3A_100 = tpu.memref_squeeze %dma_start3A_99 : memref<1x128xi32, #tpu.memory_space<vmem>> -> memref<128xi32, #tpu.memory_space<vmem>>
      %dma_start3A_101 = tpu.memref_slice %arg3[%add3A_6] : memref<16384xi32, #tpu.memory_space<hbm>> -> memref<128xi32, #tpu.memory_space<hbm>>
      %dma_start3A_102 = arith.constant 0 : i32
      %dma_start3A_103 = tpu.memref_slice %arg6[%run_scoped3A_7, %dma_start3A_102] : memref<4x128xi32, #tpu.memory_space<vmem>> -> memref<1x128xi32, #tpu.memory_space<vmem>>
      %dma_start3A_104 = tpu.memref_squeeze %dma_start3A_103 : memref<1x128xi32, #tpu.memory_space<vmem>> -> memref<128xi32, #tpu.memory_space<vmem>>
      %dma_start3A_105 = tpu.memref_slice %arg3[%add3A_6] : memref<16384xi32, #tpu.memory_space<hbm>> -> memref<128xi32, #tpu.memory_space<hbm>>
      tpu.enqueue_dma source(%dma_start3A_105 : memref<128xi32, #tpu.memory_space<hbm>>) target(%dma_start3A_104 : memref<128xi32, #tpu.memory_space<vmem>>) target_semaphore(%run_scoped3A_97 : memref<!tpu.dma_semaphore, #tpu.memory_space<semaphore_mem>>)
      %dma_wait3A_106 = arith.constant 0 : i32
      %dma_wait3A_107 = tpu.memref_slice %arg6[%run_scoped3A_7, %dma_wait3A_106] : memref<4x128xi32, #tpu.memory_space<vmem>> -> memref<1x128xi32, #tpu.memory_space<vmem>>
      %dma_wait3A_108 = tpu.memref_squeeze %dma_wait3A_107 : memref<1x128xi32, #tpu.memory_space<vmem>> -> memref<128xi32, #tpu.memory_space<vmem>>
      %dma_wait3A_109 = tpu.memref_slice %arg3[%add3A_6] : memref<16384xi32, #tpu.memory_space<hbm>> -> memref<128xi32, #tpu.memory_space<hbm>>
      %dma_wait3A_110 = arith.constant 0 : i32
      %dma_wait3A_111 = tpu.memref_slice %arg6[%run_scoped3A_7, %dma_wait3A_110] : memref<4x128xi32, #tpu.memory_space<vmem>> -> memref<1x128xi32, #tpu.memory_space<vmem>>
      %dma_wait3A_112 = tpu.memref_squeeze %dma_wait3A_111 : memref<1x128xi32, #tpu.memory_space<vmem>> -> memref<128xi32, #tpu.memory_space<vmem>>
      %dma_wait3A_113 = tpu.memref_slice %arg3[%add3A_6] : memref<16384xi32, #tpu.memory_space<hbm>> -> memref<128xi32, #tpu.memory_space<hbm>>
      tpu.wait_dma2 semaphore(%run_scoped3A_97 : memref<!tpu.dma_semaphore, #tpu.memory_space<semaphore_mem>>) src(%dma_wait3A_113 : memref<128xi32, #tpu.memory_space<hbm>>) dst(%dma_wait3A_112 : memref<128xi32, #tpu.memory_space<vmem>>)
      tpu.yield
    }) : () -> ()
    %add3A_8 = arith.constant 256 : i32
    %add3A_9 = arith.addi %mul3A_2, %add3A_8 : i32
    %run_scoped3A_10 = arith.constant 2 : i32
    "tpu.region"() ({
      %run_scoped3A_97 = tpu.sem_alloc : memref<!tpu.dma_semaphore, #tpu.memory_space<semaphore_mem>>
      %dma_start3A_98 = arith.constant 0 : i32
      %dma_start3A_99 = tpu.memref_slice %arg6[%run_scoped3A_10, %dma_start3A_98] : memref<4x128xi32, #tpu.memory_space<vmem>> -> memref<1x128xi32, #tpu.memory_space<vmem>>
      %dma_start3A_100 = tpu.memref_squeeze %dma_start3A_99 : memref<1x128xi32, #tpu.memory_space<vmem>> -> memref<128xi32, #tpu.memory_space<vmem>>
      %dma_start3A_101 = tpu.memref_slice %arg3[%add3A_9] : memref<16384xi32, #tpu.memory_space<hbm>> -> memref<128xi32, #tpu.memory_space<hbm>>
      %dma_start3A_102 = arith.constant 0 : i32
      %dma_start3A_103 = tpu.memref_slice %arg6[%run_scoped3A_10, %dma_start3A_102] : memref<4x128xi32, #tpu.memory_space<vmem>> -> memref<1x128xi32, #tpu.memory_space<vmem>>
      %dma_start3A_104 = tpu.memref_squeeze %dma_start3A_103 : memref<1x128xi32, #tpu.memory_space<vmem>> -> memref<128xi32, #tpu.memory_space<vmem>>
      %dma_start3A_105 = tpu.memref_slice %arg3[%add3A_9] : memref<16384xi32, #tpu.memory_space<hbm>> -> memref<128xi32, #tpu.memory_space<hbm>>
      tpu.enqueue_dma source(%dma_start3A_105 : memref<128xi32, #tpu.memory_space<hbm>>) target(%dma_start3A_104 : memref<128xi32, #tpu.memory_space<vmem>>) target_semaphore(%run_scoped3A_97 : memref<!tpu.dma_semaphore, #tpu.memory_space<semaphore_mem>>)
      %dma_wait3A_106 = arith.constant 0 : i32
      %dma_wait3A_107 = tpu.memref_slice %arg6[%run_scoped3A_10, %dma_wait3A_106] : memref<4x128xi32, #tpu.memory_space<vmem>> -> memref<1x128xi32, #tpu.memory_space<vmem>>
      %dma_wait3A_108 = tpu.memref_squeeze %dma_wait3A_107 : memref<1x128xi32, #tpu.memory_space<vmem>> -> memref<128xi32, #tpu.memory_space<vmem>>
      %dma_wait3A_109 = tpu.memref_slice %arg3[%add3A_9] : memref<16384xi32, #tpu.memory_space<hbm>> -> memref<128xi32, #tpu.memory_space<hbm>>
      %dma_wait3A_110 = arith.constant 0 : i32
      %dma_wait3A_111 = tpu.memref_slice %arg6[%run_scoped3A_10, %dma_wait3A_110] : memref<4x128xi32, #tpu.memory_space<vmem>> -> memref<1x128xi32, #tpu.memory_space<vmem>>
      %dma_wait3A_112 = tpu.memref_squeeze %dma_wait3A_111 : memref<1x128xi32, #tpu.memory_space<vmem>> -> memref<128xi32, #tpu.memory_space<vmem>>
      %dma_wait3A_113 = tpu.memref_slice %arg3[%add3A_9] : memref<16384xi32, #tpu.memory_space<hbm>> -> memref<128xi32, #tpu.memory_space<hbm>>
      tpu.wait_dma2 semaphore(%run_scoped3A_97 : memref<!tpu.dma_semaphore, #tpu.memory_space<semaphore_mem>>) src(%dma_wait3A_113 : memref<128xi32, #tpu.memory_space<hbm>>) dst(%dma_wait3A_112 : memref<128xi32, #tpu.memory_space<vmem>>)
      tpu.yield
    }) : () -> ()
    %add3A_11 = arith.constant 384 : i32
    %add3A_12 = arith.addi %mul3A_2, %add3A_11 : i32
    %run_scoped3A_13 = arith.constant 3 : i32
    "tpu.region"() ({
      %run_scoped3A_97 = tpu.sem_alloc : memref<!tpu.dma_semaphore, #tpu.memory_space<semaphore_mem>>
      %dma_start3A_98 = arith.constant 0 : i32
      %dma_start3A_99 = tpu.memref_slice %arg6[%run_scoped3A_13, %dma_start3A_98] : memref<4x128xi32, #tpu.memory_space<vmem>> -> memref<1x128xi32, #tpu.memory_space<vmem>>
      %dma_start3A_100 = tpu.memref_squeeze %dma_start3A_99 : memref<1x128xi32, #tpu.memory_space<vmem>> -> memref<128xi32, #tpu.memory_space<vmem>>
      %dma_start3A_101 = tpu.memref_slice %arg3[%add3A_12] : memref<16384xi32, #tpu.memory_space<hbm>> -> memref<128xi32, #tpu.memory_space<hbm>>
      %dma_start3A_102 = arith.constant 0 : i32
      %dma_start3A_103 = tpu.memref_slice %arg6[%run_scoped3A_13, %dma_start3A_102] : memref<4x128xi32, #tpu.memory_space<vmem>> -> memref<1x128xi32, #tpu.memory_space<vmem>>
      %dma_start3A_104 = tpu.memref_squeeze %dma_start3A_103 : memref<1x128xi32, #tpu.memory_space<vmem>> -> memref<128xi32, #tpu.memory_space<vmem>>
      %dma_start3A_105 = tpu.memref_slice %arg3[%add3A_12] : memref<16384xi32, #tpu.memory_space<hbm>> -> memref<128xi32, #tpu.memory_space<hbm>>
      tpu.enqueue_dma source(%dma_start3A_105 : memref<128xi32, #tpu.memory_space<hbm>>) target(%dma_start3A_104 : memref<128xi32, #tpu.memory_space<vmem>>) target_semaphore(%run_scoped3A_97 : memref<!tpu.dma_semaphore, #tpu.memory_space<semaphore_mem>>)
      %dma_wait3A_106 = arith.constant 0 : i32
      %dma_wait3A_107 = tpu.memref_slice %arg6[%run_scoped3A_13, %dma_wait3A_106] : memref<4x128xi32, #tpu.memory_space<vmem>> -> memref<1x128xi32, #tpu.memory_space<vmem>>
      %dma_wait3A_108 = tpu.memref_squeeze %dma_wait3A_107 : memref<1x128xi32, #tpu.memory_space<vmem>> -> memref<128xi32, #tpu.memory_space<vmem>>
      %dma_wait3A_109 = tpu.memref_slice %arg3[%add3A_12] : memref<16384xi32, #tpu.memory_space<hbm>> -> memref<128xi32, #tpu.memory_space<hbm>>
      %dma_wait3A_110 = arith.constant 0 : i32
      %dma_wait3A_111 = tpu.memref_slice %arg6[%run_scoped3A_13, %dma_wait3A_110] : memref<4x128xi32, #tpu.memory_space<vmem>> -> memref<1x128xi32, #tpu.memory_space<vmem>>
      %dma_wait3A_112 = tpu.memref_squeeze %dma_wait3A_111 : memref<1x128xi32, #tpu.memory_space<vmem>> -> memref<128xi32, #tpu.memory_space<vmem>>
      %dma_wait3A_113 = tpu.memref_slice %arg3[%add3A_12] : memref<16384xi32, #tpu.memory_space<hbm>> -> memref<128xi32, #tpu.memory_space<hbm>>
      tpu.wait_dma2 semaphore(%run_scoped3A_97 : memref<!tpu.dma_semaphore, #tpu.memory_space<semaphore_mem>>) src(%dma_wait3A_113 : memref<128xi32, #tpu.memory_space<hbm>>) dst(%dma_wait3A_112 : memref<128xi32, #tpu.memory_space<vmem>>)
      tpu.yield
    }) : () -> ()
    %dma_start3A = arith.constant 0 : i32
    %dma_start3A_14 = arith.constant 0 : i32
    %dma_start3A_15 = arith.constant 0 : i32
    %dma_start3A_16 = tpu.memref_slice %arg7[%dma_start3A_14, %dma_start3A_15] : memref<512x32xf32, #tpu.memory_space<vmem>> -> memref<128x32xf32, #tpu.memory_space<vmem>>
    %dma_start3A_17 = arith.constant 0 : i32
    %dma_start3A_18 = tpu.memref_slice %arg6[%dma_start3A, %dma_start3A_17] : memref<4x128xi32, #tpu.memory_space<vmem>> -> memref<1x128xi32, #tpu.memory_space<vmem>>
    %dma_start3A_19 = tpu.memref_squeeze %dma_start3A_18 : memref<1x128xi32, #tpu.memory_space<vmem>> -> memref<128xi32, #tpu.memory_space<vmem>>
    %dma_start3A_20 = arith.constant 0 : i32
    %dma_start3A_21 = arith.constant 0 : i32
    %dma_start3A_22 = tpu.memref_slice %arg2[%dma_start3A_20, %dma_start3A_21] : memref<8192x32xf32, #tpu.memory_space<hbm>> -> memref<8192x32xf32, #tpu.memory_space<hbm>>
    tpu.enqueue_indirect_dma source(%dma_start3A_22 : memref<8192x32xf32, #tpu.memory_space<hbm>>) target(%dma_start3A_16 : memref<128x32xf32, #tpu.memory_space<vmem>>) offsets(%dma_start3A_19 : memref<128xi32, #tpu.memory_space<vmem>>) semaphore(%arg9 : memref<!tpu.dma_semaphore, #tpu.memory_space<semaphore_mem>>)
    %dma_start3A_23 = arith.constant 1 : i32
    %dma_start3A_24 = arith.constant 128 : i32
    %dma_start3A_25 = arith.constant 0 : i32
    %dma_start3A_26 = tpu.memref_slice %arg7[%dma_start3A_24, %dma_start3A_25] : memref<512x32xf32, #tpu.memory_space<vmem>> -> memref<128x32xf32, #tpu.memory_space<vmem>>
    %dma_start3A_27 = arith.constant 0 : i32
    %dma_start3A_28 = tpu.memref_slice %arg6[%dma_start3A_23, %dma_start3A_27] : memref<4x128xi32, #tpu.memory_space<vmem>> -> memref<1x128xi32, #tpu.memory_space<vmem>>
    %dma_start3A_29 = tpu.memref_squeeze %dma_start3A_28 : memref<1x128xi32, #tpu.memory_space<vmem>> -> memref<128xi32, #tpu.memory_space<vmem>>
    %dma_start3A_30 = arith.constant 0 : i32
    %dma_start3A_31 = arith.constant 0 : i32
    %dma_start3A_32 = tpu.memref_slice %arg2[%dma_start3A_30, %dma_start3A_31] : memref<8192x32xf32, #tpu.memory_space<hbm>> -> memref<8192x32xf32, #tpu.memory_space<hbm>>
    tpu.enqueue_indirect_dma source(%dma_start3A_32 : memref<8192x32xf32, #tpu.memory_space<hbm>>) target(%dma_start3A_26 : memref<128x32xf32, #tpu.memory_space<vmem>>) offsets(%dma_start3A_29 : memref<128xi32, #tpu.memory_space<vmem>>) semaphore(%arg9 : memref<!tpu.dma_semaphore, #tpu.memory_space<semaphore_mem>>)
    %dma_start3A_33 = arith.constant 2 : i32
    %dma_start3A_34 = arith.constant 256 : i32
    %dma_start3A_35 = arith.constant 0 : i32
    %dma_start3A_36 = tpu.memref_slice %arg7[%dma_start3A_34, %dma_start3A_35] : memref<512x32xf32, #tpu.memory_space<vmem>> -> memref<128x32xf32, #tpu.memory_space<vmem>>
    %dma_start3A_37 = arith.constant 0 : i32
    %dma_start3A_38 = tpu.memref_slice %arg6[%dma_start3A_33, %dma_start3A_37] : memref<4x128xi32, #tpu.memory_space<vmem>> -> memref<1x128xi32, #tpu.memory_space<vmem>>
    %dma_start3A_39 = tpu.memref_squeeze %dma_start3A_38 : memref<1x128xi32, #tpu.memory_space<vmem>> -> memref<128xi32, #tpu.memory_space<vmem>>
    %dma_start3A_40 = arith.constant 0 : i32
    %dma_start3A_41 = arith.constant 0 : i32
    %dma_start3A_42 = tpu.memref_slice %arg2[%dma_start3A_40, %dma_start3A_41] : memref<8192x32xf32, #tpu.memory_space<hbm>> -> memref<8192x32xf32, #tpu.memory_space<hbm>>
    tpu.enqueue_indirect_dma source(%dma_start3A_42 : memref<8192x32xf32, #tpu.memory_space<hbm>>) target(%dma_start3A_36 : memref<128x32xf32, #tpu.memory_space<vmem>>) offsets(%dma_start3A_39 : memref<128xi32, #tpu.memory_space<vmem>>) semaphore(%arg9 : memref<!tpu.dma_semaphore, #tpu.memory_space<semaphore_mem>>)
    %dma_start3A_43 = arith.constant 3 : i32
    %dma_start3A_44 = arith.constant 384 : i32
    %dma_start3A_45 = arith.constant 0 : i32
    %dma_start3A_46 = tpu.memref_slice %arg7[%dma_start3A_44, %dma_start3A_45] : memref<512x32xf32, #tpu.memory_space<vmem>> -> memref<128x32xf32, #tpu.memory_space<vmem>>
    %dma_start3A_47 = arith.constant 0 : i32
    %dma_start3A_48 = tpu.memref_slice %arg6[%dma_start3A_43, %dma_start3A_47] : memref<4x128xi32, #tpu.memory_space<vmem>> -> memref<1x128xi32, #tpu.memory_space<vmem>>
    %dma_start3A_49 = tpu.memref_squeeze %dma_start3A_48 : memref<1x128xi32, #tpu.memory_space<vmem>> -> memref<128xi32, #tpu.memory_space<vmem>>
    %dma_start3A_50 = arith.constant 0 : i32
    %dma_start3A_51 = arith.constant 0 : i32
    %dma_start3A_52 = tpu.memref_slice %arg2[%dma_start3A_50, %dma_start3A_51] : memref<8192x32xf32, #tpu.memory_space<hbm>> -> memref<8192x32xf32, #tpu.memory_space<hbm>>
    tpu.enqueue_indirect_dma source(%dma_start3A_52 : memref<8192x32xf32, #tpu.memory_space<hbm>>) target(%dma_start3A_46 : memref<128x32xf32, #tpu.memory_space<vmem>>) offsets(%dma_start3A_49 : memref<128xi32, #tpu.memory_space<vmem>>) semaphore(%arg9 : memref<!tpu.dma_semaphore, #tpu.memory_space<semaphore_mem>>)
    "tpu.region"() ({
      %run_scoped3A_97 = tpu.sem_alloc : memref<!tpu.dma_semaphore, #tpu.memory_space<semaphore_mem>>
      %dma_start3A_98 = arith.constant 0 : i32
      %dma_start3A_99 = tpu.memref_slice %arg4[%mul3A_2, %dma_start3A_98] : memref<16384x32xf32, #tpu.memory_space<hbm>> -> memref<512x32xf32, #tpu.memory_space<hbm>>
      %dma_start3A_100 = arith.constant 0 : i32
      %dma_start3A_101 = tpu.memref_slice %arg4[%mul3A_2, %dma_start3A_100] : memref<16384x32xf32, #tpu.memory_space<hbm>> -> memref<512x32xf32, #tpu.memory_space<hbm>>
      tpu.enqueue_dma source(%dma_start3A_101 : memref<512x32xf32, #tpu.memory_space<hbm>>) target(%arg8 : memref<512x32xf32, #tpu.memory_space<vmem>>) target_semaphore(%run_scoped3A_97 : memref<!tpu.dma_semaphore, #tpu.memory_space<semaphore_mem>>)
      %dma_wait3A_102 = arith.constant 0 : i32
      %dma_wait3A_103 = tpu.memref_slice %arg4[%mul3A_2, %dma_wait3A_102] : memref<16384x32xf32, #tpu.memory_space<hbm>> -> memref<512x32xf32, #tpu.memory_space<hbm>>
      %dma_wait3A_104 = arith.constant 0 : i32
      %dma_wait3A_105 = tpu.memref_slice %arg4[%mul3A_2, %dma_wait3A_104] : memref<16384x32xf32, #tpu.memory_space<hbm>> -> memref<512x32xf32, #tpu.memory_space<hbm>>
      tpu.wait_dma2 semaphore(%run_scoped3A_97 : memref<!tpu.dma_semaphore, #tpu.memory_space<semaphore_mem>>) src(%dma_wait3A_105 : memref<512x32xf32, #tpu.memory_space<hbm>>) dst(%arg8 : memref<512x32xf32, #tpu.memory_space<vmem>>)
      tpu.yield
    }) : () -> ()
    %dma_wait3A = arith.constant 0 : i32
    %dma_wait3A_53 = arith.constant 0 : i32
    %dma_wait3A_54 = arith.constant 0 : i32
    %dma_wait3A_55 = tpu.memref_slice %arg7[%dma_wait3A_53, %dma_wait3A_54] : memref<512x32xf32, #tpu.memory_space<vmem>> -> memref<128x32xf32, #tpu.memory_space<vmem>>
    %dma_wait3A_56 = arith.constant 0 : i32
    %dma_wait3A_57 = tpu.memref_slice %arg6[%dma_wait3A, %dma_wait3A_56] : memref<4x128xi32, #tpu.memory_space<vmem>> -> memref<1x128xi32, #tpu.memory_space<vmem>>
    %dma_wait3A_58 = tpu.memref_squeeze %dma_wait3A_57 : memref<1x128xi32, #tpu.memory_space<vmem>> -> memref<128xi32, #tpu.memory_space<vmem>>
    %dma_wait3A_59 = arith.constant 0 : i32
    %dma_wait3A_60 = arith.constant 0 : i32
    %dma_wait3A_61 = tpu.memref_slice %arg2[%dma_wait3A_59, %dma_wait3A_60] : memref<8192x32xf32, #tpu.memory_space<hbm>> -> memref<8192x32xf32, #tpu.memory_space<hbm>>
    tpu.wait_indirect_dma semaphore(%arg9 : memref<!tpu.dma_semaphore, #tpu.memory_space<semaphore_mem>>) src(%dma_wait3A_61 : memref<8192x32xf32, #tpu.memory_space<hbm>>) dst(%dma_wait3A_55 : memref<128x32xf32, #tpu.memory_space<vmem>>)
    %dma_wait3A_62 = arith.constant 1 : i32
    %dma_wait3A_63 = arith.constant 128 : i32
    %dma_wait3A_64 = arith.constant 0 : i32
    %dma_wait3A_65 = tpu.memref_slice %arg7[%dma_wait3A_63, %dma_wait3A_64] : memref<512x32xf32, #tpu.memory_space<vmem>> -> memref<128x32xf32, #tpu.memory_space<vmem>>
    %dma_wait3A_66 = arith.constant 0 : i32
    %dma_wait3A_67 = tpu.memref_slice %arg6[%dma_wait3A_62, %dma_wait3A_66] : memref<4x128xi32, #tpu.memory_space<vmem>> -> memref<1x128xi32, #tpu.memory_space<vmem>>
    %dma_wait3A_68 = tpu.memref_squeeze %dma_wait3A_67 : memref<1x128xi32, #tpu.memory_space<vmem>> -> memref<128xi32, #tpu.memory_space<vmem>>
    %dma_wait3A_69 = arith.constant 0 : i32
    %dma_wait3A_70 = arith.constant 0 : i32
    %dma_wait3A_71 = tpu.memref_slice %arg2[%dma_wait3A_69, %dma_wait3A_70] : memref<8192x32xf32, #tpu.memory_space<hbm>> -> memref<8192x32xf32, #tpu.memory_space<hbm>>
    tpu.wait_indirect_dma semaphore(%arg9 : memref<!tpu.dma_semaphore, #tpu.memory_space<semaphore_mem>>) src(%dma_wait3A_71 : memref<8192x32xf32, #tpu.memory_space<hbm>>) dst(%dma_wait3A_65 : memref<128x32xf32, #tpu.memory_space<vmem>>)
    %dma_wait3A_72 = arith.constant 2 : i32
    %dma_wait3A_73 = arith.constant 256 : i32
    %dma_wait3A_74 = arith.constant 0 : i32
    %dma_wait3A_75 = tpu.memref_slice %arg7[%dma_wait3A_73, %dma_wait3A_74] : memref<512x32xf32, #tpu.memory_space<vmem>> -> memref<128x32xf32, #tpu.memory_space<vmem>>
    %dma_wait3A_76 = arith.constant 0 : i32
    %dma_wait3A_77 = tpu.memref_slice %arg6[%dma_wait3A_72, %dma_wait3A_76] : memref<4x128xi32, #tpu.memory_space<vmem>> -> memref<1x128xi32, #tpu.memory_space<vmem>>
    %dma_wait3A_78 = tpu.memref_squeeze %dma_wait3A_77 : memref<1x128xi32, #tpu.memory_space<vmem>> -> memref<128xi32, #tpu.memory_space<vmem>>
    %dma_wait3A_79 = arith.constant 0 : i32
    %dma_wait3A_80 = arith.constant 0 : i32
    %dma_wait3A_81 = tpu.memref_slice %arg2[%dma_wait3A_79, %dma_wait3A_80] : memref<8192x32xf32, #tpu.memory_space<hbm>> -> memref<8192x32xf32, #tpu.memory_space<hbm>>
    tpu.wait_indirect_dma semaphore(%arg9 : memref<!tpu.dma_semaphore, #tpu.memory_space<semaphore_mem>>) src(%dma_wait3A_81 : memref<8192x32xf32, #tpu.memory_space<hbm>>) dst(%dma_wait3A_75 : memref<128x32xf32, #tpu.memory_space<vmem>>)
    %dma_wait3A_82 = arith.constant 3 : i32
    %dma_wait3A_83 = arith.constant 384 : i32
    %dma_wait3A_84 = arith.constant 0 : i32
    %dma_wait3A_85 = tpu.memref_slice %arg7[%dma_wait3A_83, %dma_wait3A_84] : memref<512x32xf32, #tpu.memory_space<vmem>> -> memref<128x32xf32, #tpu.memory_space<vmem>>
    %dma_wait3A_86 = arith.constant 0 : i32
    %dma_wait3A_87 = tpu.memref_slice %arg6[%dma_wait3A_82, %dma_wait3A_86] : memref<4x128xi32, #tpu.memory_space<vmem>> -> memref<1x128xi32, #tpu.memory_space<vmem>>
    %dma_wait3A_88 = tpu.memref_squeeze %dma_wait3A_87 : memref<1x128xi32, #tpu.memory_space<vmem>> -> memref<128xi32, #tpu.memory_space<vmem>>
    %dma_wait3A_89 = arith.constant 0 : i32
    %dma_wait3A_90 = arith.constant 0 : i32
    %dma_wait3A_91 = tpu.memref_slice %arg2[%dma_wait3A_89, %dma_wait3A_90] : memref<8192x32xf32, #tpu.memory_space<hbm>> -> memref<8192x32xf32, #tpu.memory_space<hbm>>
    tpu.wait_indirect_dma semaphore(%arg9 : memref<!tpu.dma_semaphore, #tpu.memory_space<semaphore_mem>>) src(%dma_wait3A_91 : memref<8192x32xf32, #tpu.memory_space<hbm>>) dst(%dma_wait3A_85 : memref<128x32xf32, #tpu.memory_space<vmem>>)
    %scan3A = arith.constant 0 : i32
    %scan3A_92 = arith.constant 0 : i32
    %scan3A_93 = arith.constant 512 : i32
    %scan3A_94 = arith.addi %scan3A_92, %scan3A_93 : i32
    %scan3A_95 = arith.constant 1 : i32
    scf.for %scan3A_97 = %scan3A_92 to %scan3A_94 step %scan3A_95  : i32 {
      %get3A = arith.index_cast %scan3A_97 : i32 to index
      %get3A_98 = arith.constant 0 : index
      %get3A_99 = tpu.vector_load %arg8[%get3A, %get3A_98] {strides = array<i32>} : memref<512x32xf32, #tpu.memory_space<vmem>>, vector<1x16xf32>,
      %get3A_100 = vector.shape_cast %get3A_99 : vector<1x16xf32> to vector<16xf32>
      %get3A_101 = arith.index_cast %scan3A_97 : i32 to index
      %get3A_102 = arith.constant 0 : index
      %get3A_103 = tpu.vector_load %arg7[%get3A_101, %get3A_102] {strides = array<i32>} : memref<512x32xf32, #tpu.memory_space<vmem>>, vector<1x16xf32>,
      %get3A_104 = vector.shape_cast %get3A_103 : vector<1x16xf32> to vector<16xf32>
      %sub3A = arith.subf %get3A_104, %get3A_100 : vector<16xf32>
      %add3A_105 = arith.addf %get3A_100, %sub3A : vector<16xf32>
      %swap3A = arith.index_cast %scan3A_97 : i32 to index
      %swap3A_106 = arith.constant 0 : index
      %swap3A_107 = tpu.vector_load %arg7[%swap3A, %swap3A_106] {strides = array<i32>} : memref<512x32xf32, #tpu.memory_space<vmem>>, vector<1x16xf32>,
      %swap3A_108 = vector.shape_cast %swap3A_107 : vector<1x16xf32> to vector<16xf32>
      %swap3A_109 = vector.shape_cast %add3A_105 : vector<16xf32> to vector<1x16xf32>
      tpu.vector_store %arg7[%swap3A, %swap3A_106], %swap3A_109 {strides = array<i32>} : memref<512x32xf32, #tpu.memory_space<vmem>>, vector<1x16xf32>,
      %get3A_110 = arith.index_cast %scan3A_97 : i32 to index
      %get3A_111 = arith.constant 16 : index
      %get3A_112 = tpu.vector_load %arg8[%get3A_110, %get3A_111] {strides = array<i32>} : memref<512x32xf32, #tpu.memory_space<vmem>>, vector<1x16xf32>,
      %get3A_113 = vector.shape_cast %get3A_112 : vector<1x16xf32> to vector<16xf32>
      %get3A_114 = arith.index_cast %scan3A_97 : i32 to index
      %get3A_115 = arith.constant 16 : index
      %get3A_116 = tpu.vector_load %arg7[%get3A_114, %get3A_115] {strides = array<i32>} : memref<512x32xf32, #tpu.memory_space<vmem>>, vector<1x16xf32>,
      %get3A_117 = vector.shape_cast %get3A_116 : vector<1x16xf32> to vector<16xf32>
      %sub3A_118 = arith.subf %get3A_117, %get3A_113 : vector<16xf32>
      %add3A_119 = arith.addf %get3A_113, %sub3A_118 : vector<16xf32>
      %swap3A_120 = arith.index_cast %scan3A_97 : i32 to index
      %swap3A_121 = arith.constant 16 : index
      %swap3A_122 = tpu.vector_load %arg7[%swap3A_120, %swap3A_121] {strides = array<i32>} : memref<512x32xf32, #tpu.memory_space<vmem>>, vector<1x16xf32>,
      %swap3A_123 = vector.shape_cast %swap3A_122 : vector<1x16xf32> to vector<16xf32>
      %swap3A_124 = vector.shape_cast %add3A_119 : vector<16xf32> to vector<1x16xf32>
      tpu.vector_store %arg7[%swap3A_120, %swap3A_121], %swap3A_124 {strides = array<i32>} : memref<512x32xf32, #tpu.memory_space<vmem>>, vector<1x16xf32>,
    }
    %scan3A_96 = arith.constant 512 : i32
    "tpu.region"() ({
      %run_scoped3A_97 = tpu.sem_alloc : memref<!tpu.dma_semaphore, #tpu.memory_space<semaphore_mem>>
      %dma_start3A_98 = arith.constant 0 : i32
      %dma_start3A_99 = tpu.memref_slice %arg5[%mul3A_2, %dma_start3A_98] : memref<16384x32xf32, #tpu.memory_space<hbm>> -> memref<512x32xf32, #tpu.memory_space<hbm>>
      %dma_start3A_100 = arith.constant 0 : i32
      %dma_start3A_101 = tpu.memref_slice %arg5[%mul3A_2, %dma_start3A_100] : memref<16384x32xf32, #tpu.memory_space<hbm>> -> memref<512x32xf32, #tpu.memory_space<hbm>>
      tpu.enqueue_dma source(%arg7 : memref<512x32xf32, #tpu.memory_space<vmem>>) target(%dma_start3A_101 : memref<512x32xf32, #tpu.memory_space<hbm>>) target_semaphore(%run_scoped3A_97 : memref<!tpu.dma_semaphore, #tpu.memory_space<semaphore_mem>>)
      %dma_wait3A_102 = arith.constant 0 : i32
      %dma_wait3A_103 = tpu.memref_slice %arg5[%mul3A_2, %dma_wait3A_102] : memref<16384x32xf32, #tpu.memory_space<hbm>> -> memref<512x32xf32, #tpu.memory_space<hbm>>
      %dma_wait3A_104 = arith.constant 0 : i32
      %dma_wait3A_105 = tpu.memref_slice %arg5[%mul3A_2, %dma_wait3A_104] : memref<16384x32xf32, #tpu.memory_space<hbm>> -> memref<512x32xf32, #tpu.memory_space<hbm>>
      tpu.wait_dma2 semaphore(%run_scoped3A_97 : memref<!tpu.dma_semaphore, #tpu.memory_space<semaphore_mem>>) src(%arg7 : memref<512x32xf32, #tpu.memory_space<vmem>>) dst(%dma_wait3A_105 : memref<512x32xf32, #tpu.memory_space<hbm>>)
      tpu.yield
    }) : () -> ()
    return
  }
}

module attributes {stable_mosaic.version = 14 : i64} {
  func.func @_dist_argmin_body(%arg0: i32, %arg1: memref<1024x1xf32, #tpu.memory_space<vmem>>, %arg2: memref<1024x32xbf16, #tpu.memory_space<vmem>>, %arg3: memref<32x8192xbf16, #tpu.memory_space<vmem>>, %arg4: memref<1x8192xf32, #tpu.memory_space<vmem>>, %arg5: memref<1024x1xi32, #tpu.memory_space<vmem>>, %arg6: memref<1024x1xf32, #tpu.memory_space<vmem>>, %arg7: memref<1x1xf32, #tpu.memory_space<vmem>>) attributes {dimension_semantics = [#tpu.dimension_semantics<arbitrary>], iteration_bounds = array<i64: 16>, scalar_prefetch = 0 : i64, scratch_operands = 0 : i64, tpu.core_type = #tpu.core_type<tc>, window_params = [{transform_indices = @transform_0, window_bounds = array<i64: 1024, 1>}, {transform_indices = @transform_1, window_bounds = array<i64: 1024, 32>}, {pipeline_mode = #tpu.pipeline_mode<synchronous>, transform_indices = @transform_2, window_bounds = array<i64: 32, 8192>}, {pipeline_mode = #tpu.pipeline_mode<synchronous>, transform_indices = @transform_3, window_bounds = array<i64: 1, 8192>}, {transform_indices = @transform_4, window_bounds = array<i64: 1024, 1>}, {transform_indices = @transform_5, window_bounds = array<i64: 1024, 1>}, {pipeline_mode = #tpu.pipeline_mode<synchronous>, transform_indices = @transform_6, window_bounds = array<i64: 1, 1>}]} {
    %get3A = arith.constant 0 : index
    %get3A_0 = arith.constant 0 : index
    %get3A_1 = vector.load %arg2[%get3A, %get3A_0] : memref<1024x32xbf16, #tpu.memory_space<vmem>>, vector<1024x32xbf16>
    %get3A_2 = arith.constant 0 : index
    %get3A_3 = arith.constant 0 : index
    %get3A_4 = vector.load %arg3[%get3A_2, %get3A_3] : memref<32x8192xbf16, #tpu.memory_space<vmem>>, vector<32x8192xbf16>
    %dot_general3A = arith.constant dense<0.000000e+00> : vector<1024x8192xf32>
    %dot_general3A_5 = tpu.matmul %get3A_1, %get3A_4, %dot_general3A {dimension_numbers = #tpu.dot_dimension_numbers<[1], [0], [0], [1], [0, 0, 1, 1], [], []>, transpose_lhs_hint = false} : vector<1024x32xbf16>, vector<32x8192xbf16>, vector<1024x8192xf32> -> vector<1024x8192xf32>
    %get3A_6 = arith.constant 0 : index
    %get3A_7 = arith.constant 0 : index
    %get3A_8 = vector.load %arg1[%get3A_6, %get3A_7] : memref<1024x1xf32, #tpu.memory_space<vmem>>, vector<1024x1xf32>
    %mul3A = arith.constant 2.000000e+00 : f32
    %mul3A_9 = vector.broadcast %mul3A : f32 to vector<1024x8192xf32>
    %mul3A_10 = arith.mulf %mul3A_9, %dot_general3A_5 : vector<1024x8192xf32>
    %sub3A = vector.broadcast %get3A_8 : vector<1024x1xf32> to vector<1024x8192xf32>
    %sub3A_11 = arith.subf %sub3A, %mul3A_10 : vector<1024x8192xf32>
    %get3A_12 = arith.constant 0 : index
    %get3A_13 = arith.constant 0 : index
    %get3A_14 = vector.load %arg4[%get3A_12, %get3A_13] : memref<1x8192xf32, #tpu.memory_space<vmem>>, vector<1x8192xf32>
    %add3A = vector.broadcast %get3A_14 : vector<1x8192xf32> to vector<1024x8192xf32>
    %add3A_15 = arith.addf %sub3A_11, %add3A : vector<1024x8192xf32>
    %broadcast_in_dim3A = arith.constant 0x7F800000 : f32
    %broadcast_in_dim3A_16 = vector.broadcast %broadcast_in_dim3A : f32 to vector<1024x1xf32>
    %broadcast_in_dim3A_17 = arith.constant 0x7F800000 : f32
    %broadcast_in_dim3A_18 = vector.broadcast %broadcast_in_dim3A_17 : f32 to vector<1024x1xf32>
    %broadcast_in_dim3A_19 = arith.constant 0 : i32
    %broadcast_in_dim3A_20 = vector.broadcast %broadcast_in_dim3A_19 : i32 to vector<1024x1xi32>
    %slice3A = vector.extract_strided_slice %add3A_15 {offsets = [0, 0], sizes = [1024, 4096], strides = [1, 1]} : vector<1024x8192xf32> to vector<1024x4096xf32>
    %reduce_min3A = arith.constant dense<0x7F800000> : vector<1024xf32>
    %reduce_min3A_21 = vector.multi_reduction <minimumf>, %slice3A, %reduce_min3A [1] : vector<1024x4096xf32> to vector<1024xf32>
    %broadcast_in_dim3A_22 = vector.shape_cast %reduce_min3A_21 : vector<1024xf32> to vector<1024x1xf32>
    %iota3A = tpu.iota {dimensions = array<i32: 1>} : vector<1024x4096xi32>
    %eq3A = vector.broadcast %broadcast_in_dim3A_22 : vector<1024x1xf32> to vector<1024x4096xf32>
    %eq3A_23 = arith.cmpf oeq, %slice3A, %eq3A : vector<1024x4096xf32>
    %jit3A = arith.constant 4096 : i32
    %broadcast_in_dim3A_24 = vector.broadcast %jit3A : i32 to vector<1024x4096xi32>
    %select_n3A = arith.select %eq3A_23, %iota3A, %broadcast_in_dim3A_24 : vector<1024x4096xi1>, vector<1024x4096xi32>
    %reduce_min3A_25 = arith.constant dense<2147483647> : vector<1024xi32>
    %reduce_min3A_26 = vector.multi_reduction <minsi>, %select_n3A, %reduce_min3A_25 [1] : vector<1024x4096xi32> to vector<1024xi32>
    %broadcast_in_dim3A_27 = vector.shape_cast %reduce_min3A_26 : vector<1024xi32> to vector<1024x1xi32>
    %add3A_28 = arith.constant 0 : i32
    %add3A_29 = vector.broadcast %add3A_28 : i32 to vector<1024x1xi32>
    %add3A_30 = arith.addi %broadcast_in_dim3A_27, %add3A_29 : vector<1024x1xi32>
    %lt3A = arith.cmpf olt, %broadcast_in_dim3A_22, %broadcast_in_dim3A_16 : vector<1024x1xf32>
    %select_n3A_31 = arith.select %lt3A, %add3A_30, %broadcast_in_dim3A_20 : vector<1024x1xi1>, vector<1024x1xi32>
    %select_n3A_32 = arith.select %lt3A, %broadcast_in_dim3A_22, %broadcast_in_dim3A_18 : vector<1024x1xi1>, vector<1024x1xf32>
    %select_n3A_33 = arith.select %lt3A, %broadcast_in_dim3A_22, %broadcast_in_dim3A_16 : vector<1024x1xi1>, vector<1024x1xf32>
    %convert_element_type3A = arith.truncf %select_n3A_33 : vector<1024x1xf32> to vector<1024x1xbf16>
    %convert_element_type3A_34 = arith.extf %convert_element_type3A : vector<1024x1xbf16> to vector<1024x1xf32>
    %slice3A_35 = vector.extract_strided_slice %add3A_15 {offsets = [0, 4096], sizes = [1024, 4096], strides = [1, 1]} : vector<1024x8192xf32> to vector<1024x4096xf32>
    %reduce_min3A_36 = arith.constant dense<0x7F800000> : vector<1024xf32>
    %reduce_min3A_37 = vector.multi_reduction <minimumf>, %slice3A_35, %reduce_min3A_36 [1] : vector<1024x4096xf32> to vector<1024xf32>
    %broadcast_in_dim3A_38 = vector.shape_cast %reduce_min3A_37 : vector<1024xf32> to vector<1024x1xf32>
    %iota3A_39 = tpu.iota {dimensions = array<i32: 1>} : vector<1024x4096xi32>
    %eq3A_40 = vector.broadcast %broadcast_in_dim3A_38 : vector<1024x1xf32> to vector<1024x4096xf32>
    %eq3A_41 = arith.cmpf oeq, %slice3A_35, %eq3A_40 : vector<1024x4096xf32>
    %jit3A_42 = arith.constant 4096 : i32
    %broadcast_in_dim3A_43 = vector.broadcast %jit3A_42 : i32 to vector<1024x4096xi32>
    %select_n3A_44 = arith.select %eq3A_41, %iota3A_39, %broadcast_in_dim3A_43 : vector<1024x4096xi1>, vector<1024x4096xi32>
    %reduce_min3A_45 = arith.constant dense<2147483647> : vector<1024xi32>
    %reduce_min3A_46 = vector.multi_reduction <minsi>, %select_n3A_44, %reduce_min3A_45 [1] : vector<1024x4096xi32> to vector<1024xi32>
    %broadcast_in_dim3A_47 = vector.shape_cast %reduce_min3A_46 : vector<1024xi32> to vector<1024x1xi32>
    %add3A_48 = arith.constant 4096 : i32
    %add3A_49 = vector.broadcast %add3A_48 : i32 to vector<1024x1xi32>
    %add3A_50 = arith.addi %broadcast_in_dim3A_47, %add3A_49 : vector<1024x1xi32>
    %lt3A_51 = arith.cmpf olt, %broadcast_in_dim3A_38, %convert_element_type3A_34 : vector<1024x1xf32>
    %select_n3A_52 = arith.select %lt3A_51, %add3A_50, %select_n3A_31 : vector<1024x1xi1>, vector<1024x1xi32>
    %select_n3A_53 = arith.select %lt3A_51, %broadcast_in_dim3A_38, %select_n3A_32 : vector<1024x1xi1>, vector<1024x1xf32>
    %swap3A = arith.constant 0 : index
    %swap3A_54 = arith.constant 0 : index
    %swap3A_55 = vector.load %arg5[%swap3A, %swap3A_54] : memref<1024x1xi32, #tpu.memory_space<vmem>>, vector<1024x1xi32>
    tpu.vector_store %arg5[%swap3A, %swap3A_54], %select_n3A_52 {strides = array<i32>} : memref<1024x1xi32, #tpu.memory_space<vmem>>, vector<1024x1xi32>,
    %swap3A_56 = arith.constant 0 : index
    %swap3A_57 = arith.constant 0 : index
    %swap3A_58 = vector.load %arg6[%swap3A_56, %swap3A_57] : memref<1024x1xf32, #tpu.memory_space<vmem>>, vector<1024x1xf32>
    tpu.vector_store %arg6[%swap3A_56, %swap3A_57], %select_n3A_53 {strides = array<i32>} : memref<1024x1xf32, #tpu.memory_space<vmem>>, vector<1024x1xf32>,
    %eq3A_59 = arith.constant 0 : i32
    %eq3A_60 = arith.cmpi eq, %arg0, %eq3A_59 : i32
    %convert_element_type3A_61 = arith.extui %eq3A_60 : i1 to i32
    %cond3A = arith.constant 0 : i32
    %cond3A_62 = arith.cmpi ne, %convert_element_type3A_61, %cond3A : i32
    scf.if %cond3A_62 {
      %broadcast_in_dim3A_75 = arith.constant 0.000000e+00 : f32
      %broadcast_in_dim3A_76 = vector.broadcast %broadcast_in_dim3A_75 : f32 to vector<1x1xf32>
      %swap3A_77 = arith.constant 0 : index
      %swap3A_78 = arith.constant 0 : index
      %swap3A_79 = vector.load %arg7[%swap3A_77, %swap3A_78] : memref<1x1xf32, #tpu.memory_space<vmem>>, vector<1x1xf32>
      tpu.vector_store %arg7[%swap3A_77, %swap3A_78], %broadcast_in_dim3A_76 {strides = array<i32>} : memref<1x1xf32, #tpu.memory_space<vmem>>, vector<1x1xf32>,
    } else {
    }
    %get3A_63 = arith.constant 0 : index
    %get3A_64 = arith.constant 0 : index
    %get3A_65 = vector.load %arg7[%get3A_63, %get3A_64] : memref<1x1xf32, #tpu.memory_space<vmem>>, vector<1x1xf32>
    %reduce_sum3A = vector.shape_cast %select_n3A_53 : vector<1024x1xf32> to vector<1x1024x1xf32>
    %reduce_sum3A_66 = arith.constant dense<0.000000e+00> : vector<1xf32>
    %reduce_sum3A_67 = vector.multi_reduction <add>, %reduce_sum3A, %reduce_sum3A_66 [1, 2] : vector<1x1024x1xf32> to vector<1xf32>
    %reduce_sum3A_68 = vector.shape_cast %reduce_sum3A_67 : vector<1xf32> to vector<1x1x1xf32>
    %reduce_sum3A_69 = vector.extract %reduce_sum3A_68[0, 0, 0] : f32 from vector<1x1x1xf32>
    %add3A_70 = vector.broadcast %reduce_sum3A_69 : f32 to vector<1x1xf32>
    %add3A_71 = arith.addf %get3A_65, %add3A_70 : vector<1x1xf32>
    %swap3A_72 = arith.constant 0 : index
    %swap3A_73 = arith.constant 0 : index
    %swap3A_74 = vector.load %arg7[%swap3A_72, %swap3A_73] : memref<1x1xf32, #tpu.memory_space<vmem>>, vector<1x1xf32>
    tpu.vector_store %arg7[%swap3A_72, %swap3A_73], %add3A_71 {strides = array<i32>} : memref<1x1xf32, #tpu.memory_space<vmem>>, vector<1x1xf32>,
    return
  }
  func.func @transform_0(%arg0: i32) -> (i32, i32) {
    %c0_i32 = arith.constant 0 : i32
    %c0_i32_0 = arith.constant 0 : i32
    return %arg0, %c0_i32 : i32, i32
  }
  func.func @transform_1(%arg0: i32) -> (i32, i32) {
    %c0_i32 = arith.constant 0 : i32
    %c0_i32_0 = arith.constant 0 : i32
    return %arg0, %c0_i32 : i32, i32
  }
  func.func @transform_2(%arg0: i32) -> (i32, i32) {
    %c0_i32 = arith.constant 0 : i32
    %c0_i32_0 = arith.constant 0 : i32
    %c0_i32_1 = arith.constant 0 : i32
    return %c0_i32, %c0_i32_0 : i32, i32
  }
  func.func @transform_3(%arg0: i32) -> (i32, i32) {
    %c0_i32 = arith.constant 0 : i32
    %c0_i32_0 = arith.constant 0 : i32
    %c0_i32_1 = arith.constant 0 : i32
    return %c0_i32, %c0_i32_0 : i32, i32
  }
  func.func @transform_4(%arg0: i32) -> (i32, i32) {
    %c0_i32 = arith.constant 0 : i32
    %c0_i32_0 = arith.constant 0 : i32
    return %arg0, %c0_i32 : i32, i32
  }
  func.func @transform_5(%arg0: i32) -> (i32, i32) {
    %c0_i32 = arith.constant 0 : i32
    %c0_i32_0 = arith.constant 0 : i32
    return %arg0, %c0_i32 : i32, i32
  }
  func.func @transform_6(%arg0: i32) -> (i32, i32) {
    %c0_i32 = arith.constant 0 : i32
    %c0_i32_0 = arith.constant 0 : i32
    %c0_i32_1 = arith.constant 0 : i32
    return %c0_i32, %c0_i32_0 : i32, i32
  }
}

</mosaic_0001>

<sc_bundles>
// kernel: kernel.4.cloned.1.call-start
scs
__scs_entry_jumppad:
0x0: {  	(pc) =	sbr.rel $0x88, $3  }
0x1: {  	(tag) =	ssettag $0x0;
	lr =	simm.s32 $0x1  }
0x2: {  	[smem:$0x3F9F] =	sst lr;
	_ =	strace $0xD0000000  }
0x3: {  	_ = 	snop  }
0x4: {  	_ = 	snop  }
0x5: {  	_ = 	snop  }
0x6: {  	_ = 	snop  }
0x7: {  	_ = 	snop  }
__scs_overlays_trampoline_lowered:
0x8: {  	[smem:$0x3FAE] =	sst s0  }
0x9: {  	[smem:$0x3FAF] =	sst s1  }
0xa: {  	[smem:$0x3FB0] =	sst s2  }
0xb: {  	[smem:$0x3FB1] =	sst s3  }
0xc: {  	[smem:$0x3FB2] =	sst s4  }
0xd: {  	[smem:$0x3FB3] =	sst s5  }
0xe: {  	[smem:$0x3FB4] =	sst s6  }
0xf: {  	[smem:$0x3FB5] =	sst s7  }
0x10: {  	[smem:$0x3FB6] =	sst s8  }
0x11: {  	[smem:$0x3FB7] =	sst s9;
	s0 =	simm.s32 @!p0 $0x0  }
0x12: {  	s1 =	sld [smem:$0x3F9D];
	s0 =	simm.s32 @p0 $0x1  }
0x13: {  	[smem:$0x3FB8] =	sst s0;
	s0 =	simm.s32 @!p1 $0x0  }
0x14: {  	s2 =	sld [smem:$0x3F9C];
	s0 =	simm.s32 @p1 $0x1  }
0x15: {  	[smem:$0x3FB9] =	sst s0;
	s0 =	simm.s32 @!p2 $0x0  }
0x16: {  	s3 =	sld [smem:$0x3FDB];
	s0 =	simm.s32 @p2 $0x1  }
0x17: {  	s4 =	simm.s32 $0x1BF5;
	[smem:$0x3FBB] =	sst s0  }
0x18: {  	s0 =	sld [smem:$0x3F9E];
	_ =	swait.ge [sflag:s4], $0x0  }
0x19: {  	s7 =	sld [smem:$0x3F9F]  }
0x1a: {  	s8 =	sadd.s32 $0xFFFFE003, lr  }
0x1b: {  	s9 =	sadd.s32 $0xFFFFFEF7, lr;
	s5 =	simm.s32 $0xFFFFFFFF;
	p2 =	slt.u32 s8, $0xFFFFF086  }
0x1c: {  	p1 =	slt.u32 s9, $0xF7A;
	s5 =	simm.s32 @!p2 $0x0  }
0x1d: {  	s5 =	simm.s32 @p1 $0x1;
	p0 =	seq.s32 s7, s2  }
0x1e: {  	s7 =	smul.u32 @!p0 $0xF7A, s2;
	p2 =	seq.s32 @!p0 s5, $0x0  }
0x1f: {  	s9 =	smul.u32 $0xF7A, s1;
	s8 =	simm.s32 @!p0 $0x1BF5;
	p2 =	por !p2, p0  }
0x20: {  	[sflag:s8] =	ssyncset.s32 @!p0 $0xFFFFF086;
	s6 =	sadd.s32 @!p0 s3, s7;
	s7 =	simm.s32 @!p0 $0x108  }
0x21: {  	s3 =	sadd.s32 s3, s9;
	s6 =	sadd.s32 @!p0 $0x88, s6;
	s7 =	simm.s32 @p2 $0x1082  }
0x22: {  	[simem:s7], [sflag:s8] =	dma.local @!p0 [hbm:s6], $0xF7A  }
0x23: {  	s9 =	sor.u32 $0xD0000000, s2;
	s6 =	simm.s32 $0x108;
	_ =	swait.ge @!p0 [sflag:s8], $0x0  }
0x24: {  	s3 =	sadd.s32 $0x88, s3;
	s6 =	simm.s32 @!p1 $0x1082;
	[sflag:s4] =	ssyncset.s32 $0xFFFFF086  }
0x25: {  	[simem:s6], [sflag:s4] =	dma.local [hbm:s3], $0xF7A  }
0x26: {  	[smem:$0x3F9F] =	sst s1;
	(tag) =	ssettag s2;
	_ =	strace s9  }
0x27: {  	s1 =	sld [smem:$0x3FAF]  }
0x28: {  	s2 =	sld [smem:$0x3FB0]  }
0x29: {  	s4 =	sld [smem:$0x3FB2]  }
0x2a: {  	p0 =	seq.s32 s5, $0x0;
	s5 =	sld [smem:$0x3FB3]  }
0x2b: {  	s6 =	sld [smem:$0x3FB4]  }
0x2c: {  	s7 =	sld [smem:$0x3FB5]  }
0x2d: {  	s3 =	simm.s32 $0x108;
	s8 =	sld [smem:$0x3FB6]  }
0x2e: {  	s3 =	simm.s32 @!p0 $0x1082;
	s9 =	sld [smem:$0x3FB7]  }
0x2f: {  	lr =	sadd.s32 s0, s3;
	s0 =	sld [smem:$0x3FAE]  }
0x30: {  	s3 =	sld [smem:$0x3FB1]  }
0x31: {  	[smem:$0x3FBA] =	sst s10  }
0x32: {  	s10 =	sld [smem:$0x3FB8];
	_ =	sdelay $0x3  }
0x33: {  	p0 =	seq.s32 s10, $0x1;
	s10 =	sld [smem:$0x3FBA];
	_ =	sdelay $0x3  }
0x34: {  	[smem:$0x3FBA] =	sst s10  }
0x35: {  	s10 =	sld [smem:$0x3FB9];
	_ =	sdelay $0x3  }
0x36: {  	p1 =	seq.s32 s10, $0x1;
	s10 =	sld [smem:$0x3FBA];
	_ =	sdelay $0x3  }
0x37: {  	[smem:$0x3FBA] =	sst s10  }
0x38: {  	s10 =	sld [smem:$0x3FBB]  }
0x39: {  	_ = 	snop;
	(pc) =	sbr.ind lr, $3  }
0x3a: {  	_ = 	snop  }
0x3b: {  	_ = 	snop  }
0x3c: {  	p2 =	seq.s32 s10, $0x1;
	s10 =	sld [smem:$0x3FBA]  }
0x3d: {  	_ =	shalt  }
0x3e: {  	_ =	shalt  }
0x3f: {  	_ =	shalt  }
0x40: {  	_ =	shalt  }
0x41: {  	_ =	shalt  }
0x42: {  	_ =	shalt  }
0x43: {  	_ =	shalt  }
0x44: {  	_ =	shalt  }
0x45: {  	_ =	shalt  }
0x46: {  	_ =	shalt  }
0x47: {  	_ =	shalt  }
0x48: {  	_ =	shalt  }
0x49: {  	_ =	shalt  }
0x4a: {  	_ =	shalt  }
0x4b: {  	_ =	shalt  }
0x4c: {  	_ =	shalt  }
0x4d: {  	_ =	shalt  }
0x4e: {  	_ =	shalt  }
0x4f: {  	_ =	shalt  }
0x50: {  	_ =	shalt  }
0x51: {  	_ =	shalt  }
0x52: {  	_ =	shalt  }
0x53: {  	_ =	shalt  }
0x54: {  	_ =	shalt  }
0x55: {  	_ =	shalt  }
0x56: {  	_ =	shalt  }
0x57: {  	_ =	shalt  }
0x58: {  	_ =	shalt  }
0x59: {  	_ =	shalt  }
0x5a: {  	_ =	shalt  }
0x5b: {  	_ =	shalt  }
0x5c: {  	_ =	shalt  }
0x5d: {  	_ =	shalt  }
0x5e: {  	_ =	shalt  }
0x5f: {  	_ =	shalt  }
0x60: {  	_ =	shalt  }
0x61: {  	_ =	shalt  }
0x62: {  	_ =	shalt  }
0x63: {  	_ =	shalt  }
0x64: {  	_ =	shalt  }
0x65: {  	_ =	shalt  }
0x66: {  	_ =	shalt  }
0x67: {  	_ =	shalt  }
0x68: {  	_ =	shalt  }
0x69: {  	_ =	shalt  }
0x6a: {  	_ =	shalt  }
0x6b: {  	_ =	shalt  }
0x6c: {  	_ =	shalt  }
0x6d: {  	_ =	shalt  }
0x6e: {  	_ =	shalt  }
0x6f: {  	_ =	shalt  }
0x70: {  	_ =	shalt  }
0x71: {  	_ =	shalt  }
0x72: {  	_ =	shalt  }
0x73: {  	_ =	shalt  }
0x74: {  	_ =	shalt  }
0x75: {  	_ =	shalt  }
0x76: {  	_ =	shalt  }
0x77: {  	_ =	shalt  }
0x78: {  	_ =	shalt  }
0x79: {  	_ =	shalt  }
0x7a: {  	_ =	shalt  }
0x7b: {  	_ =	shalt  }
0x7c: {  	_ =	shalt  }
0x7d: {  	_ =	shalt  }
0x7e: {  	_ =	shalt  }
0x7f: {  	_ =	shalt  }
0x80: {  	_ =	shalt  }
0x81: {  	_ =	shalt  }
0x82: {  	_ =	shalt  }
0x83: {  	_ =	shalt  }
0x84: {  	_ =	shalt  }
0x85: {  	_ =	shalt  }
0x86: {  	_ =	shalt  }
0x87: {  	_ =	shalt  }
.Lfunc_end0:
.L_simem_size_0:
called_computation_lowered:
.L_overlay_start_0:
0x88: {  	s2 =	sld [smem:$0x3FD9]  }
0x89: {  	s3 =	sld [smem:$0x3FFE];
	_ =	sdelay $0x1  }
0x8a: {  	s1 =	srdreg.scid  }
0x8b: {  	s0 =	sand.u32 $0x1, s1  }
0x8c: {  	s14 =	sshll.u32 s0, $0xA;
	s2 =	sadd.s32 s3, s2  }
0x8d: {  	s2 =	sadd.s32 s2, s14  }
0x8e: {  	[smem:$0x3FC6] =	sst s2  }
0x8f: {  	_ = 	snop  }
0x90: {  	s2 =	sld [smem:$0x3FD0];
	_ =	sdelay $0x2  }
0x91: {  	s15 =	simm.s32 $0xA;
	s4 =	simm.s32 $0x10  }
0x92: {  	[smem:s4], [sflag:s15] =	dma.local [hbm:s2], $0x1  }
0x93: {  	_ =	swait.eq [sflag:s15], $0x1  }
0x94: {  	[sflag:s15] =	ssyncset.done $0x0  }
0x95: {  	s16 =	sld [smem:$0x10];
	[sflag:s15] =	ssyncadd.s32 $0xFFFFFFFF  }
0x96: {  	s17 =	sld [smem:$0x12];
	(tm) =	ssettm $0x1  }
0x97: {  	s18 =	sld [smem:$0x3FFB];
	_ =	sdelay $0x3  }
0x98: {  	_ =	strace s18  }
0x99: {  	s4 =	sld [smem:$0x3FFC];
	_ =	sdelay $0x3  }
0x9a: {  	_ =	strace s4  }
0x9b: {  	s4 =	sld [smem:$0x3FFD];
	_ =	sdelay $0x3  }
0x9c: {  	_ =	strace s4  }
0x9d: {  	_ =	strace $0x8FFFFFFF  }
0x9e: {  	s19 =	sld [smem:$0x3FDB];
	_ =	sdelay $0x1  }
0x9f: {  	s5 =	simm.s32 $_scs_section_size  }
0xa0: {  	s6 =	simm.s32 $_size__tile_overlayer_lowered;
	s7 =	simm.s32 $_tile_overlayer_lowered  }
0xa1: {  	s22 =	simm.s32 $0x1BFF;
	s21 =	sshll.u32 s7, $0x1;
	s4 =	sadd.s32 s5, s19  }
0xa2: {  	s8 =	simm.s32 $0x0;
	s20 =	sshll.u32 s6, $0x1;
	s6 =	sadd.s32 s21, s4  }
0xa3: {  	[timem:s8], [sflag:s22] =	dma.local [hbm:s6], s20  }
0xa4: {  	_ =	swait.ge [sflag:s22], s20  }
0xa5: {  	s5 =	ssub.s32 $0x0, s20;
	[sflag:s22] =	ssyncset.done $0x0  }
0xa6: {  	[sflag:s22] =	ssyncadd.s32 s5;
	_ =	sdelay $0x1  }
0xa7: {  	s23 =	simm.s32 $0x1B8B  }
0xa8: {  	_ =	swait.ge [sflag:s23], $0x1  }
0xa9: {  	[sflag:s23] =	ssyncset.done $0x0  }
0xaa: {  	s25 =	simm.s32 $0x1B8E;
	s24 =	sld [smem:$0x3FFE];
	[sflag:s23] =	ssyncadd.s32 $0xFFFFFFFF  }
0xab: {  	s26 =	simm.s32 $execute0_lowered;
	[smem:$0x3FD2] =	sst s25  }
0xac: {  	s6 =	sshll.u32 s26, $0x1;
	_ =	strace $0x80000046;
	[dreg:$0x1] =	wrdreg $0xFFFFFFFF  }
0xad: {  	s28 =	simm.s32 $_size_execute0_lowered;
	s4 =	sadd.s32 s4, s6;
	[dreg:$0x0] =	wrdreg $0x0  }
0xae: {  	s6 =	sshll.u32 s28, $0x1;
	[dreg:$0x2] =	wrdreg s4  }
0xaf: {  	[dreg:$0x3] =	wrdreg s6  }
0xb0: {  	[dreg:$0x4] =	wrdreg $0xC0  }
0xb1: {  	_ =	task [dreg:s8], $0x5FFFF  }
0xb2: {  	[dreg:$0x1] =	wrdreg $0xFFFFFFFF  }
0xb3: {  	[dreg:$0x0] =	wrdreg $0x60  }
0xb4: {  	[dreg:$0x2] =	wrdreg s24  }
0xb5: {  	[dreg:$0x3] =	wrdreg s17  }
0xb6: {  	[dreg:$0x4] =	wrdreg s16  }
0xb7: {  	[dreg:$0x5] =	wrdreg $0x9  }
0xb8: {  	_ =	task.clear_ibuf [dreg:s8], $0x6FFFF;
	_ =	strace $0x90000046  }
0xb9: {  	s29 =	simm.s32 $0x9;
	_ =	strace $0x80000048  }
0xba: {  	_ =	swait.ge [sflag:s29], $0x1  }
0xbb: {  	[sflag:s29] =	ssyncadd.s32 $0xFFFFFFFF  }
0xbc: {  	_ =	strace $0x90000048  }
0xbd: {  	_ =	sfence  }
0xbe: {  	s30 =	sld [smem:$0x0];
	_ =	sdelay $0x2  }
0xbf: {  	s31 =	sshll.u32 s1, $0xD;
	s1 =	sshrl.u32 s1, $0x2  }
0xc0: {  	s3 =	sand.u32 $0x4000, s31;
	s1 =	sadd.s32 s1, s30  }
0xc1: {  	s0 =	sor.u32 s3, s0;
	s1 =	sshll.u32 s1, $0x11  }
0xc2: {  	s0 =	sor.u32 s1, s0  }
0xc3: {  	s0 =	sadd.s32 $0x8F2B, s0  }
0xc4: {  	[sflag:s0] =	ssyncadd.remote.s32 $0x1  }
0xc5: {  	_ =	sfence.sel $0xFFFF  }
0xc6: {  	[dreg:$0x0] =	wrdreg $0xFFFFFFFF;
	(pc) =	sbr.abs _section_cstart, $3  }
0xc7: {  	[dreg:$0x1] =	wrdreg $0xFFFFFFFF  }
0xc8: {  	_ =	task.clear_ibuf [dreg:s8], $0x2FFFF;
	_ =	strace $0x9FFFFFFF  }
0xc9: {  	(tm) =	ssettm $0x7FFFFFFF  }
tec
execute0_lowered:
.L_overlay_start_1:
0x0: {  	(tag) =	ssettag $0x1  }
0x1: {  	s9 =	rddreg [dreg:$0x0]  }
0x2: {  	s4 =	rddreg [dreg:$0x1]  }
0x3: {  	s8 =	rddreg [dreg:$0x2];
	s2 =	srdreg.scid  }
0x4: {  	s0 =	rddreg [dreg:$0x3];
	s1 =	stileid.u32;
	s12 =	simm.s32 $0x80  }
0x5: {  	s13 =	simm.s32 $0x100;
	s14 =	simm.s32 $0x180;
	s15 =	simm.s32 $0x200  }
0x6: {  	s16 =	simm.s32 $0x1200;
	s17 =	simm.s32 $0x2200;
	s18 =	simm.s32 $0x3200  }
0x7: {  	s19 =	simm.s32 $0x4200;
	s20 =	simm.s32 $0x1;
	s21 =	simm.s32 $0x0  }
0x8: {  	s3 =	sand.u32 $0x1, s2;
	s2 =	simm.s32 $0x0;
	s5 =	sshll.u32 s1, $0xA  }
0x9: {  	s6 =	sshll.u32 s3, $0x9;
	[smem:$0x7FF] =	sst s2;
	s7 =	ssub.s32 $0x2, s3  }
0xa: {  	s3 =	sadd.s32 $0x40000, s9;
	s10 =	sor.u32 s6, s5;
	_ =	strace $0x80000047  }
0xb: {  	s31 =	sshrl.u32 s7, $0x1;
	s6 =	sshrl.u32 s10, $0x3;
	s10 =	sshll.u32 s10, $0x2  }
0xc: {  	s11 =	ssub.s32 s7, s31;
	s4 =	sadd.s32 s4, s6;
	s8 =	sadd.s32 s8, s10  }
0xd: {  	s9 =	sadd.s32 s9, s10;
	s10 =	smax.u32 s11, $0x1;
	s11 =	simm.s32 $0x2  }
0xe: {  	s5 =	sadd.s32 $0x10, s4;
	s6 =	sadd.s32 $0x20, s4;
	s7 =	sadd.s32 $0x30, s4  }
.LBB2_1:
0xf: {  	[tilespmem:s2], [sflag:$0x2] =	stream.linear.gather [hbm4b:s4+s2], $0x80, $0x38;
	[tilespmem:$0x8200] =	vst v63  }
0x10: {  	_ =	swait.ge [sflag:s11], $0x80  }
0x11: {  	[sflag:s11] =	ssyncset.done $0x0  }
0x12: {  	[sflag:s11] =	ssyncadd.s32 $0xFFFFFF80  }
0x13: {  	[tilespmem:s12], [sflag:$0x2] =	stream.linear.gather [hbm4b:s5+s2], $0x80, $0x38;
	[tilespmem:$0x8200] =	vst v63  }
0x14: {  	_ =	swait.ge [sflag:s11], $0x80  }
0x15: {  	[sflag:s11] =	ssyncset.done $0x0  }
0x16: {  	[sflag:s11] =	ssyncadd.s32 $0xFFFFFF80  }
0x17: {  	[tilespmem:s13], [sflag:$0x2] =	stream.linear.gather [hbm4b:s6+s2], $0x80, $0x38;
	[tilespmem:$0x8200] =	vst v63  }
0x18: {  	_ =	swait.ge [sflag:s11], $0x80  }
0x19: {  	[sflag:s11] =	ssyncset.done $0x0  }
0x1a: {  	[sflag:s11] =	ssyncadd.s32 $0xFFFFFF80  }
0x1b: {  	[tilespmem:s14], [sflag:$0x2] =	stream.linear.gather [hbm4b:s7+s2], $0x80, $0x38;
	[tilespmem:$0x8200] =	vst v63  }
0x1c: {  	_ =	swait.ge [sflag:s11], $0x80  }
0x1d: {  	[sflag:s11] =	ssyncset.done $0x0  }
0x1e: {  	[sflag:s11] =	ssyncadd.s32 $0xFFFFFF80  }
0x1f: {  	[tilespmem:s15], [sflag:$0x1] =	stream.indirect.gather [hbm4b:s3+s12], $0x20, s2, s12, $0xb8;
	[tilespmem:$0x8200] =	vst v63  }
0x20: {  	_ = 	snop  }
0x21: {  	[tilespmem:s16], [sflag:$0x1] =	stream.indirect.gather [hbm4b:s3+s12], $0x20, s12, s12, $0xb8;
	[tilespmem:$0x8200] =	vst v63  }
0x22: {  	_ = 	snop  }
0x23: {  	[tilespmem:s17], [sflag:$0x1] =	stream.indirect.gather [hbm4b:s3+s12], $0x20, s13, s12, $0xb8;
	[tilespmem:$0x8200] =	vst v63  }
0x24: {  	_ = 	snop  }
0x25: {  	[tilespmem:s18], [sflag:$0x1] =	stream.indirect.gather [hbm4b:s3+s12], $0x20, s14, s12, $0xb8;
	[tilespmem:$0x8200] =	vst v63  }
0x26: {  	_ = 	snop  }
0x27: {  	[tilespmem:s19], [sflag:$0x2] =	stream.linear.gather [hbm4b:s8+s2], $0x4000, $0x38;
	[tilespmem:$0x8200] =	vst v63  }
0x28: {  	_ =	swait.ge [sflag:s11], $0x4000  }
0x29: {  	[sflag:s11] =	ssyncset.done $0x0  }
0x2a: {  	[sflag:s11] =	ssyncadd.s32 $0xFFFFC000  }
0x2b: {  	_ =	swait.ge [sflag:s20], $0x1000  }
0x2c: {  	[sflag:s20] =	ssyncset.done $0x0  }
0x2d: {  	[sflag:s20] =	ssyncadd.s32 $0xFFFFF000  }
0x2e: {  	_ =	swait.ge [sflag:s20], $0x1000  }
0x2f: {  	[sflag:s20] =	ssyncset.done $0x0  }
0x30: {  	[sflag:s20] =	ssyncadd.s32 $0xFFFFF000  }
0x31: {  	_ =	swait.ge [sflag:s20], $0x1000  }
0x32: {  	[sflag:s20] =	ssyncset.done $0x0  }
0x33: {  	[sflag:s20] =	ssyncadd.s32 $0xFFFFF000  }
0x34: {  	_ =	swait.ge [sflag:s20], $0x1000  }
0x35: {  	[sflag:s20] =	ssyncset.done $0x0  }
0x36: {  	s22 =	simm.s32 $0x0;
	[sflag:s20] =	ssyncadd.s32 $0xFFFFF000  }
0x37: {  	v0 =	vld [tilespmem:s22+$0x4200]  }
0x38: {  	v1 =	vld [tilespmem:s22+$0x4210]  }
0x39: {  	s23 =	simm.s32 $0x80;
	v2 =	vld [tilespmem:s22+$0x200]  }
.LBB2_2:
0x3a: {  	p0 =	sne.s32 s23, $0xFF80;
	v3 =	vld [tilespmem:s22+$0x210];
	_ =	sdelay $0x3  }
0x3b: {  	v2 =	vsub.f32 v2, v0  }
.Ltmp0:
0x3c: {  	v3 =	vsub.f32 v3, v1;
	(pc) =	sbr.rel @p0 .LBB2_2-.Ltmp0, $4  }
0x3d: {  	s24 =	sshra.s32 s23, $0x2;
	v2 =	vadd.f32 v2, v0  }
0x3e: {  	v0 =	vld [tilespmem:s24+$0x4200];
	v3 =	vadd.f32 v3, v1  }
0x3f: {  	v1 =	vld [tilespmem:s24+$0x4210];
	[tilespmem:s22+$0x200] =	vst v2  }
0x40: {  	s23 =	sadd.s32 $0x80, s23;
	v2 =	vld [tilespmem:s24+$0x200];
	[tilespmem:s22+$0x210] =	vst v3;
	s22 =	smov.u32 s24  }
0x41: {  	v3 =	vld [tilespmem:s22+$0x210];
	_ =	sdelay $0x3  }
0x42: {  	v2 =	vsub.f32 v2, v0  }
0x43: {  	v3 =	vsub.f32 v3, v1  }
0x44: {  	v0 =	vadd.f32 v2, v0  }
0x45: {  	s21 =	sadd.s32 $0x1, s21;
	v1 =	vadd.f32 v3, v1  }
0x46: {  	p0 =	sne.s32 s21, s10;
	[tilespmem:s22+$0x200] =	vst v0  }
.Ltmp1:
0x47: {  	[tilespmem:s22+$0x210] =	vst v1;
	(pc) =	sbr.rel @p0 .LBB2_1-.Ltmp1, $4  }
0x48: {  	[hbm4b:s9+s2] =	stream.linear.scatter [tilespmem:s15], [sflag:$0x2], $0x4000, $0x38;
	[tilespmem:$0x8200] =	vst v63  }
0x49: {  	_ =	swait.ge [sflag:s11], $0x4000  }
0x4a: {  	[sflag:s11] =	ssyncset.done $0x0  }
0x4b: {  	[sflag:s11] =	ssyncadd.s32 $0xFFFFC000  }
0x4c: {  	_ =	sfence.sel $0x180000  }
0x4d: {  	[bflag:$0x0] =	sbarrier.arrive $0xFFFF  }
0x4e: {  	p0 =	sne.s32 s1, $0x0;
	_ =	strace $0x90000047  }
0x4f: {  	s0 =	sadd.s32 @!p0 $0x100000, s0;
	[bflag:$0x2] =	sbarrier.arrive $0xFFFF  }
0x50: {  	[sflag:s0] =	ssyncadd.tile.s32 @!p0 $0x1;
	_ =	shalt  }
.Lfunc_end2:
_tile_overlayer_lowered:
.L_overlay_start_2:
0x51: {  	(tag) =	ssettag $0x2  }
0x52: {  	s0 =	rddreg [dreg:$0x0];
	s2 =	stileid.u32  }
0x53: {  	s1 =	rddreg [dreg:$0x1];
	p0 =	sne.s32 s2, $0x0  }
0x54: {  	s3 =	rddreg [dreg:$0x2];
	[bflag:$0x3] =	sbarrier.arrive $0xFFFF;
	s2 =	simm.s32 @!p0 $0x1C02  }
0x55: {  	[timem:s3], [sflag:s2] =	dma.local @!p0 [hbm:s0], s1  }
0x56: {  	s0 =	simm.s32 @!p0 $0x2  }
0x57: {  	_ =	swait.ge @!p0 [sflag:s0], s1  }
0x58: {  	s1 =	ssub.s32 @!p0 $0x0, s1;
	[sflag:s0] =	ssyncset.done @!p0 $0x0  }
0x59: {  	[sflag:s0] =	ssyncadd.s32 @!p0 s1  }
0x5a: {  	[bflag:$0x3] =	sbarrier.arrive $0xFFFF  }
0x5b: {  	_ =	shalt  }

</sc_bundles>
